<compile_context>
chip_gen: v7x
topology: tpu7x:2x2x1
jax: 0.10.2.dev20260603
libtpu: 0.0.44.dev20260713+nightly
codegen_flags: <defaults>
</compile_context>

<pallas_src>
import functools

import jax
import jax.numpy as jnp
from jax.experimental import pallas as pl
from jax.experimental.pallas import tpu as pltpu

_BLK = 128
_CHUNK = 1024
_IOU_THR = 0.5
_MAX_DET = 100


def _nms_mask_kernel(b_ref, bT_ref, sup_ref, s_blk):
    npad = b_ref.shape[0]
    nblk = npad // _BLK

    sup_ref[...] = jnp.zeros((1, npad), jnp.int32)

    lane_b = jax.lax.broadcasted_iota(jnp.int32, (1, _BLK), 1)

    def blk_body(i, carry):
        start = i * _BLK
        blk = b_ref[pl.ds(start, _BLK), :]
        x1b = blk[:, 0:1]
        y1b = blk[:, 1:2]
        x2b = blk[:, 2:3]
        y2b = blk[:, 3:4]
        area_b = (x2b - x1b) * (y2b - y1b)

        bt = bT_ref[:, pl.ds(start, _BLK)]
        x1r = bt[0:1, :]
        y1r = bt[1:2, :]
        x2r = bt[2:3, :]
        y2r = bt[3:4, :]
        area_r = (x2r - x1r) * (y2r - y1r)
        wb = jnp.maximum(jnp.minimum(x2b, x2r) - jnp.maximum(x1b, x1r), 0.0)
        hb = jnp.maximum(jnp.minimum(y2b, y2r) - jnp.maximum(y1b, y1r), 0.0)
        interb = wb * hb
        ioub = interb / (area_b + area_r - interb + 1e-9)
        overb = ioub > _IOU_THR
        s_blk[...] = overb.astype(jnp.int32)

        supb0 = sup_ref[:, pl.ds(start, _BLK)]
        row_i = jax.lax.broadcasted_iota(jnp.int32, (_BLK, _BLK), 0)
        col_i = jax.lax.broadcasted_iota(jnp.int32, (_BLK, _BLK), 1)
        act0 = jnp.any(overb & (row_i > col_i), axis=0, keepdims=True)
        act0 = (act0 & (supb0 == 0)).astype(jnp.int32)

        def cond(c):
            _, a = c
            return jnp.max(a) > 0

        def body(c):
            sb, a = c
            j = jnp.min(jnp.where(a > 0, lane_b, _BLK))
            row = s_blk[pl.ds(j, 1), :]
            sb2 = sb | (((lane_b > j) & (row > 0)).astype(jnp.int32))
            a2 = a & (1 - sb2) & ((lane_b != j).astype(jnp.int32))
            return sb2, a2

        supb, _ = jax.lax.while_loop(cond, body, (supb0, act0))
        sup_ref[:, pl.ds(start, _BLK)] = supb

        kept = (supb == 0).astype(jnp.float32)
        lane_c = jax.lax.broadcasted_iota(jnp.int32, (1, _CHUNK), 1)
        nch = (npad - start - _BLK + _CHUNK - 1) // _CHUNK

        def col_body(m, c):
            cs = jnp.minimum(start + _BLK + m * _CHUNK, npad - _CHUNK)
            bt_c = bT_ref[:, pl.ds(cs, _CHUNK)]
            x1c = bt_c[0:1, :]
            y1c = bt_c[1:2, :]
            x2c = bt_c[2:3, :]
            y2c = bt_c[3:4, :]
            area_c = (x2c - x1c) * (y2c - y1c)
            wc = jnp.maximum(jnp.minimum(x2b, x2c) - jnp.maximum(x1b, x1c), 0.0)
            hc = jnp.maximum(jnp.minimum(y2b, y2c) - jnp.maximum(y1b, y1c), 0.0)
            ic = wc * hc
            iouc = ic / (area_b + area_c - ic + 1e-9)
            overc = (iouc > _IOU_THR).astype(jnp.float32)
            contrib = jnp.dot(kept, overc, preferred_element_type=jnp.float32)
            valid = (cs + lane_c) >= (start + _BLK)
            cur = sup_ref[:, pl.ds(cs, _CHUNK)]
            sup_ref[:, pl.ds(cs, _CHUNK)] = cur | (
                (contrib > 0.0) & valid
            ).astype(jnp.int32)
            return c

        jax.lax.fori_loop(0, nch, col_body, 0)
        return carry

    jax.lax.fori_loop(0, nblk, blk_body, 0)


@functools.partial(jax.jit, static_argnames=())
def kernel(boxes, scores, class_idxs):
    n = boxes.shape[0]
    npad = ((n + _BLK - 1) // _BLK) * _BLK

    max_coord = jnp.max(boxes) + 1.0
    offsets = class_idxs.astype(boxes.dtype) * max_coord
    boxes_for_nms = boxes + offsets[:, None]

    order = jnp.argsort(-scores)
    b_sorted = boxes_for_nms[order]
    b_pad = jnp.zeros((npad, 4), jnp.float32).at[:n, :].set(b_sorted)
    bT_pad = b_pad.T

    sup = pl.pallas_call(
        _nms_mask_kernel,
        out_shape=jax.ShapeDtypeStruct((1, npad), jnp.int32),
        scratch_shapes=[pltpu.VMEM((_BLK, _BLK), jnp.int32)],
    )(b_pad, bT_pad)

    suppressed = sup[0, :n] > 0
    kept_scores = jnp.where(suppressed, -jnp.inf, scores[order])
    _, topk_idx = jax.lax.top_k(kept_scores, _MAX_DET)
    final_idx = order[topk_idx]
    return boxes[final_idx], scores[final_idx], class_idxs[final_idx]

# --- scband reference (transcript-rebuilt; emitter-appended) ---
"""Pipeline reference for scband-simple-ttawarper-11982958756189 (READ-ONLY COPY).

The authoritative reference and input builder live on the scoring server;
editing this copy changes nothing except your own understanding.
"""

import jax, jax.numpy as jnp
import numpy as np

N = 5000
NUM_CLASSES = 80
IOU_THRESHOLD = 0.5
MAX_DET = 100


def setup_inputs(seed: int = 0) -> dict:
    key = jax.random.key(seed)
    k1, k2, k3 = jax.random.split(key, 3)
    r = jax.random.uniform(k1, (N, 4), dtype=jnp.float32)
    cx = r[:, 0] * 1024.0
    cy = r[:, 1] * 1024.0
    w = r[:, 2] * 256.0 + 1.0
    h = r[:, 3] * 256.0 + 1.0
    boxes = jnp.stack([cx - w / 2, cy - h / 2, cx + w / 2, cy + h / 2], axis=1)
    scores = jax.random.uniform(k2, (N,), dtype=jnp.float32)
    class_idxs = jax.random.randint(k3, (N,), 0, NUM_CLASSES).astype(jnp.int64)
    return {"boxes": boxes, "scores": scores, "class_idxs": class_idxs}


def _pairwise_iou(b):
    area = (b[:, 2] - b[:, 0]) * (b[:, 3] - b[:, 1])
    lt = jnp.maximum(b[:, None, :2], b[None, :, :2])
    rb = jnp.minimum(b[:, None, 2:], b[None, :, 2:])
    wh = jnp.clip(rb - lt, 0.0)
    inter = wh[..., 0] * wh[..., 1]
    return inter / (area[:, None] + area[None, :] - inter + 1e-9)


def reference(boxes, scores, class_idxs):
    # generalized_batched_nms via class-offset trick (boxes of different
    # classes are shifted so they never overlap), then greedy hard NMS.
    max_coord = jnp.max(boxes) + 1.0
    offsets = class_idxs.astype(boxes.dtype) * max_coord
    boxes_for_nms = boxes + offsets[:, None]

    order = jnp.argsort(-scores)
    b_sorted = boxes_for_nms[order]
    iou = _pairwise_iou(b_sorted)

    n = boxes.shape[0]
    idxs = jnp.arange(n)

    def body(i, suppressed):
        keep_i = jnp.logical_not(suppressed[i])
        sup = (iou[i] > IOU_THRESHOLD) & keep_i & (idxs > i)
        return suppressed | sup

    suppressed = jax.lax.fori_loop(0, n, body, jnp.zeros((n,), dtype=bool))

    kept_scores = jnp.where(suppressed, -jnp.inf, scores[order])
    _, topk_idx = jax.lax.top_k(kept_scores, MAX_DET)
    final_idx = order[topk_idx]

    out_boxes = boxes[final_idx]
    out_scores = scores[final_idx]
    out_classes = class_idxs[final_idx]
    return out_boxes, out_scores, out_classes

if __name__ == "__main__":
    import jax
    _d = setup_inputs()
    print(jax.jit(kernel)(*tuple(_d.values())))

</pallas_src>

<mosaic_0001>
module attributes {stable_mosaic.version = 14 : i64} {
  func.func @_nms_mask_kernel(%arg0: memref<5120x4xf32, #tpu.memory_space<vmem>>, %arg1: memref<4x5120xf32, #tpu.memory_space<vmem>>, %arg2: memref<1x5120xi32, #tpu.memory_space<vmem>>, %arg3: memref<128x128xi32, #tpu.memory_space<vmem>>) attributes {dimension_semantics = [], scalar_prefetch = 0 : i64, scratch_operands = 1 : i64, tpu.core_type = #tpu.core_type<tc>} {
    %broadcast_in_dim3A = arith.constant 0 : i32
    %broadcast_in_dim3A_0 = vector.broadcast %broadcast_in_dim3A : i32 to vector<1x5120xi32>
    %swap3A = arith.constant 0 : index
    %swap3A_1 = arith.constant 0 : index
    %swap3A_2 = vector.load %arg2[%swap3A, %swap3A_1] : memref<1x5120xi32, #tpu.memory_space<vmem>>, vector<1x5120xi32>
    tpu.vector_store %arg2[%swap3A, %swap3A_1], %broadcast_in_dim3A_0 {strides = array<i32>} : memref<1x5120xi32, #tpu.memory_space<vmem>>, vector<1x5120xi32>,
    %iota3A = tpu.iota {dimensions = array<i32: 1>} : vector<1x128xi32>
    %scan3A = arith.constant 0 : i32
    %scan3A_3 = arith.constant 40 : i32
    %scan3A_4 = arith.addi %scan3A, %scan3A_3 : i32
    %scan3A_5 = arith.constant 1 : i32
    scf.for %scan3A_7 = %scan3A to %scan3A_4 step %scan3A_5  : i32 {
      %mul3A = arith.constant 128 : i32
      %mul3A_8 = arith.muli %scan3A_7, %mul3A : i32
      %get3A = arith.index_cast %mul3A_8 : i32 to index
      %get3A_9 = arith.constant 0 : index
      %get3A_10 = vector.load %arg0[%get3A, %get3A_9] : memref<5120x4xf32, #tpu.memory_space<vmem>>, vector<128x4xf32>
      %slice3A = vector.extract_strided_slice %get3A_10 {offsets = [0, 0], sizes = [128, 1], strides = [1, 1]} : vector<128x4xf32> to vector<128x1xf32>
      %slice3A_11 = vector.extract_strided_slice %get3A_10 {offsets = [0, 1], sizes = [128, 1], strides = [1, 1]} : vector<128x4xf32> to vector<128x1xf32>
      %slice3A_12 = vector.extract_strided_slice %get3A_10 {offsets = [0, 2], sizes = [128, 1], strides = [1, 1]} : vector<128x4xf32> to vector<128x1xf32>
      %slice3A_13 = vector.extract_strided_slice %get3A_10 {offsets = [0, 3], sizes = [128, 1], strides = [1, 1]} : vector<128x4xf32> to vector<128x1xf32>
      %sub3A = arith.subf %slice3A_12, %slice3A : vector<128x1xf32>
      %sub3A_14 = arith.subf %slice3A_13, %slice3A_11 : vector<128x1xf32>
      %mul3A_15 = arith.mulf %sub3A, %sub3A_14 : vector<128x1xf32>
      %get3A_16 = arith.constant 0 : index
      %get3A_17 = arith.index_cast %mul3A_8 : i32 to index
      %get3A_18 = vector.load %arg1[%get3A_16, %get3A_17] : memref<4x5120xf32, #tpu.memory_space<vmem>>, vector<4x128xf32>
      %slice3A_19 = vector.extract_strided_slice %get3A_18 {offsets = [0, 0], sizes = [1, 128], strides = [1, 1]} : vector<4x128xf32> to vector<1x128xf32>
      %slice3A_20 = vector.extract_strided_slice %get3A_18 {offsets = [1, 0], sizes = [1, 128], strides = [1, 1]} : vector<4x128xf32> to vector<1x128xf32>
      %slice3A_21 = vector.extract_strided_slice %get3A_18 {offsets = [2, 0], sizes = [1, 128], strides = [1, 1]} : vector<4x128xf32> to vector<1x128xf32>
      %slice3A_22 = vector.extract_strided_slice %get3A_18 {offsets = [3, 0], sizes = [1, 128], strides = [1, 1]} : vector<4x128xf32> to vector<1x128xf32>
      %sub3A_23 = arith.subf %slice3A_21, %slice3A_19 : vector<1x128xf32>
      %sub3A_24 = arith.subf %slice3A_22, %slice3A_20 : vector<1x128xf32>
      %mul3A_25 = arith.mulf %sub3A_23, %sub3A_24 : vector<1x128xf32>
      %min3A = vector.broadcast %slice3A_12 : vector<128x1xf32> to vector<128x128xf32>
      %min3A_26 = vector.broadcast %slice3A_21 : vector<1x128xf32> to vector<128x128xf32>
      %min3A_27 = arith.minimumf %min3A, %min3A_26 : vector<128x128xf32>
      %max3A = vector.broadcast %slice3A : vector<128x1xf32> to vector<128x128xf32>
      %max3A_28 = vector.broadcast %slice3A_19 : vector<1x128xf32> to vector<128x128xf32>
      %max3A_29 = arith.maximumf %max3A, %max3A_28 : vector<128x128xf32>
      %sub3A_30 = arith.subf %min3A_27, %max3A_29 : vector<128x128xf32>
      %max3A_31 = arith.constant 0.000000e+00 : f32
      %max3A_32 = vector.broadcast %max3A_31 : f32 to vector<128x128xf32>
      %max3A_33 = arith.maximumf %sub3A_30, %max3A_32 : vector<128x128xf32>
      %min3A_34 = vector.broadcast %slice3A_13 : vector<128x1xf32> to vector<128x128xf32>
      %min3A_35 = vector.broadcast %slice3A_22 : vector<1x128xf32> to vector<128x128xf32>
      %min3A_36 = arith.minimumf %min3A_34, %min3A_35 : vector<128x128xf32>
      %max3A_37 = vector.broadcast %slice3A_11 : vector<128x1xf32> to vector<128x128xf32>
      %max3A_38 = vector.broadcast %slice3A_20 : vector<1x128xf32> to vector<128x128xf32>
      %max3A_39 = arith.maximumf %max3A_37, %max3A_38 : vector<128x128xf32>
      %sub3A_40 = arith.subf %min3A_36, %max3A_39 : vector<128x128xf32>
      %max3A_41 = arith.constant 0.000000e+00 : f32
      %max3A_42 = vector.broadcast %max3A_41 : f32 to vector<128x128xf32>
      %max3A_43 = arith.maximumf %sub3A_40, %max3A_42 : vector<128x128xf32>
      %mul3A_44 = arith.mulf %max3A_33, %max3A_43 : vector<128x128xf32>
      %add3A = vector.broadcast %mul3A_15 : vector<128x1xf32> to vector<128x128xf32>
      %add3A_45 = vector.broadcast %mul3A_25 : vector<1x128xf32> to vector<128x128xf32>
      %add3A_46 = arith.addf %add3A, %add3A_45 : vector<128x128xf32>
      %sub3A_47 = arith.subf %add3A_46, %mul3A_44 : vector<128x128xf32>
      %add3A_48 = arith.constant 9.99999971E-10 : f32
      %add3A_49 = vector.broadcast %add3A_48 : f32 to vector<128x128xf32>
      %add3A_50 = arith.addf %sub3A_47, %add3A_49 : vector<128x128xf32>
      %div3A = arith.divf %mul3A_44, %add3A_50 : vector<128x128xf32>
      %gt3A = arith.constant 5.000000e-01 : f32
      %gt3A_51 = vector.broadcast %gt3A : f32 to vector<128x128xf32>
      %gt3A_52 = arith.cmpf ogt, %div3A, %gt3A_51 : vector<128x128xf32>
      %convert_element_type3A = arith.extui %gt3A_52 : vector<128x128xi1> to vector<128x128xi32>
      %swap3A_53 = arith.constant 0 : index
      %swap3A_54 = arith.constant 0 : index
      %swap3A_55 = vector.load %arg3[%swap3A_53, %swap3A_54] : memref<128x128xi32, #tpu.memory_space<vmem>>, vector<128x128xi32>
      tpu.vector_store %arg3[%swap3A_53, %swap3A_54], %convert_element_type3A {strides = array<i32>} : memref<128x128xi32, #tpu.memory_space<vmem>>, vector<128x128xi32>,
      %get3A_56 = arith.constant 0 : index
      %get3A_57 = arith.index_cast %mul3A_8 : i32 to index
      %get3A_58 = vector.load %arg2[%get3A_56, %get3A_57] : memref<1x5120xi32, #tpu.memory_space<vmem>>, vector<1x128xi32>
      %iota3A_59 = tpu.iota {dimensions = array<i32: 0>} : vector<128x128xi32>
      %iota3A_60 = tpu.iota {dimensions = array<i32: 1>} : vector<128x128xi32>
      %gt3A_61 = arith.cmpi sgt, %iota3A_59, %iota3A_60 : vector<128x128xi32>
      %and3A = arith.andi %gt3A_52, %gt3A_61 : vector<128x128xi1>
      %reduce_or3A = arith.constant 1.000000e+00 : f32
      %reduce_or3A_62 = arith.constant 0.000000e+00 : f32
      %reduce_or3A_63 = vector.broadcast %reduce_or3A : f32 to vector<128x128xf32>
      %reduce_or3A_64 = vector.broadcast %reduce_or3A_62 : f32 to vector<128x128xf32>
      %reduce_or3A_65 = arith.select %and3A, %reduce_or3A_63, %reduce_or3A_64 : vector<128x128xi1>, vector<128x128xf32>
      %reduce_or3A_66 = arith.constant dense<0xFF800000> : vector<128xf32>
      %reduce_or3A_67 = vector.multi_reduction <maximumf>, %reduce_or3A_65, %reduce_or3A_66 [0] : vector<128x128xf32> to vector<128xf32>
      %reduce_or3A_68 = arith.constant 0.000000e+00 : f32
      %reduce_or3A_69 = vector.broadcast %reduce_or3A_68 : f32 to vector<128xf32>
      %reduce_or3A_70 = arith.cmpf ogt, %reduce_or3A_67, %reduce_or3A_69 : vector<128xf32>
      %broadcast_in_dim3A_71 = vector.shape_cast %reduce_or3A_70 : vector<128xi1> to vector<1x128xi1>
      %eq3A = arith.constant 0 : i32
      %eq3A_72 = vector.broadcast %eq3A : i32 to vector<1x128xi32>
      %eq3A_73 = arith.cmpi eq, %get3A_58, %eq3A_72 : vector<1x128xi32>
      %and3A_74 = arith.andi %broadcast_in_dim3A_71, %eq3A_73 : vector<1x128xi1>
      %convert_element_type3A_75 = arith.extui %and3A_74 : vector<1x128xi1> to vector<1x128xi32>
      %while3A:2 = scf.while (%while3A_122 = %get3A_58, %while3A_123 = %convert_element_type3A_75) : (vector<1x128xi32>, vector<1x128xi32>) -> (vector<1x128xi32>, vector<1x128xi32>) {
        %reduce_max3A = vector.shape_cast %while3A_123 : vector<1x128xi32> to vector<1x1x128xi32>
        %reduce_max3A_124 = arith.constant dense<-2147483648> : vector<1xi32>
        %reduce_max3A_125 = vector.multi_reduction <maxsi>, %reduce_max3A, %reduce_max3A_124 [1, 2] : vector<1x1x128xi32> to vector<1xi32>
        %reduce_max3A_126 = vector.shape_cast %reduce_max3A_125 : vector<1xi32> to vector<1x1x1xi32>
        %reduce_max3A_127 = vector.extract %reduce_max3A_126[0, 0, 0] : i32 from vector<1x1x1xi32>
        %gt3A_128 = arith.constant 0 : i32
        %gt3A_129 = arith.cmpi sgt, %reduce_max3A_127, %gt3A_128 : i32
        scf.condition(%gt3A_129) %while3A_122, %while3A_123 : vector<1x128xi32>, vector<1x128xi32>
      } do {
      ^bb0(%while3A_122: vector<1x128xi32>, %while3A_123: vector<1x128xi32>):
        %gt3A_124 = arith.constant 0 : i32
        %gt3A_125 = vector.broadcast %gt3A_124 : i32 to vector<1x128xi32>
        %gt3A_126 = arith.cmpi sgt, %while3A_123, %gt3A_125 : vector<1x128xi32>
        %jit3A_127 = arith.constant 128 : i32
        %broadcast_in_dim3A_128 = vector.broadcast %jit3A_127 : i32 to vector<1x128xi32>
        %select_n3A_129 = arith.select %gt3A_126, %iota3A, %broadcast_in_dim3A_128 : vector<1x128xi1>, vector<1x128xi32>
        %reduce_min3A = vector.shape_cast %select_n3A_129 : vector<1x128xi32> to vector<1x1x128xi32>
        %reduce_min3A_130 = arith.constant dense<2147483647> : vector<1xi32>
        %reduce_min3A_131 = vector.multi_reduction <minsi>, %reduce_min3A, %reduce_min3A_130 [1, 2] : vector<1x1x128xi32> to vector<1xi32>
        %reduce_min3A_132 = vector.shape_cast %reduce_min3A_131 : vector<1xi32> to vector<1x1x1xi32>
        %reduce_min3A_133 = vector.extract %reduce_min3A_132[0, 0, 0] : i32 from vector<1x1x1xi32>
        %get3A_134 = arith.index_cast %reduce_min3A_133 : i32 to index
        %get3A_135 = arith.constant 0 : index
        %get3A_136 = vector.load %arg3[%get3A_134, %get3A_135] : memref<128x128xi32, #tpu.memory_space<vmem>>, vector<1x128xi32>
        %gt3A_137 = vector.broadcast %reduce_min3A_133 : i32 to vector<1x128xi32>
        %gt3A_138 = arith.cmpi sgt, %iota3A, %gt3A_137 : vector<1x128xi32>
        %gt3A_139 = arith.constant 0 : i32
        %gt3A_140 = vector.broadcast %gt3A_139 : i32 to vector<1x128xi32>
        %gt3A_141 = arith.cmpi sgt, %get3A_136, %gt3A_140 : vector<1x128xi32>
        %and3A_142 = arith.andi %gt3A_138, %gt3A_141 : vector<1x128xi1>
        %convert_element_type3A_143 = arith.extui %and3A_142 : vector<1x128xi1> to vector<1x128xi32>
        %or3A = arith.ori %while3A_122, %convert_element_type3A_143 : vector<1x128xi32>
        %sub3A_144 = arith.constant 1 : i32
        %sub3A_145 = vector.broadcast %sub3A_144 : i32 to vector<1x128xi32>
        %sub3A_146 = arith.subi %sub3A_145, %or3A : vector<1x128xi32>
        %and3A_147 = arith.andi %while3A_123, %sub3A_146 : vector<1x128xi32>
        %ne3A_148 = vector.broadcast %reduce_min3A_133 : i32 to vector<1x128xi32>
        %ne3A_149 = arith.cmpi ne, %iota3A, %ne3A_148 : vector<1x128xi32>
        %convert_element_type3A_150 = arith.extui %ne3A_149 : vector<1x128xi1> to vector<1x128xi32>
        %and3A_151 = arith.andi %and3A_147, %convert_element_type3A_150 : vector<1x128xi32>
        scf.yield %or3A, %and3A_151 : vector<1x128xi32>, vector<1x128xi32>
      }
      %swap3A_76 = arith.constant 0 : index
      %swap3A_77 = arith.index_cast %mul3A_8 : i32 to index
      %swap3A_78 = vector.load %arg2[%swap3A_76, %swap3A_77] : memref<1x5120xi32, #tpu.memory_space<vmem>>, vector<1x128xi32>
      tpu.vector_store %arg2[%swap3A_76, %swap3A_77], %while3A#0 {strides = array<i32>} : memref<1x5120xi32, #tpu.memory_space<vmem>>, vector<1x128xi32>,
      %eq3A_79 = arith.constant 0 : i32
      %eq3A_80 = vector.broadcast %eq3A_79 : i32 to vector<1x128xi32>
      %eq3A_81 = arith.cmpi eq, %while3A#0, %eq3A_80 : vector<1x128xi32>
      %convert_element_type3A_82 = arith.extui %eq3A_81 : vector<1x128xi1> to vector<1x128xi32>
      %convert_element_type3A_83 = arith.sitofp %convert_element_type3A_82 : vector<1x128xi32> to vector<1x128xf32>
      %iota3A_84 = tpu.iota {dimensions = array<i32: 1>} : vector<1x1024xi32>
      %sub3A_85 = arith.constant 5120 : i32
      %sub3A_86 = arith.subi %sub3A_85, %mul3A_8 : i32
      %sub3A_87 = arith.constant 128 : i32
      %sub3A_88 = arith.subi %sub3A_86, %sub3A_87 : i32
      %add3A_89 = arith.constant 1024 : i32
      %add3A_90 = arith.addi %sub3A_88, %add3A_89 : i32
      %sub3A_91 = arith.constant 1 : i32
      %sub3A_92 = arith.subi %add3A_90, %sub3A_91 : i32
      %jit3A = arith.constant 1024 : i32
      %div3A_93 = arith.divsi %sub3A_92, %jit3A : i32
      %sign3A = arith.constant 0 : i32
      %sign3A_94 = arith.cmpi sgt, %sub3A_92, %sign3A : i32
      %sign3A_95 = arith.extui %sign3A_94 : i1 to i32
      %sign3A_96 = arith.constant 0 : i32
      %sign3A_97 = arith.cmpi slt, %sub3A_92, %sign3A_96 : i32
      %sign3A_98 = arith.extui %sign3A_97 : i1 to i32
      %sign3A_99 = arith.subi %sign3A_95, %sign3A_98 : i32
      %sign3A_100 = arith.constant 0 : i32
      %sign3A_101 = arith.cmpi sgt, %jit3A, %sign3A_100 : i32
      %sign3A_102 = arith.extui %sign3A_101 : i1 to i32
      %sign3A_103 = arith.constant 0 : i32
      %sign3A_104 = arith.cmpi slt, %jit3A, %sign3A_103 : i32
      %sign3A_105 = arith.extui %sign3A_104 : i1 to i32
      %sign3A_106 = arith.subi %sign3A_102, %sign3A_105 : i32
      %ne3A = arith.cmpi ne, %sign3A_99, %sign3A_106 : i32
      %rem3A = arith.remsi %sub3A_92, %jit3A : i32
      %ne3A_107 = arith.constant 0 : i32
      %ne3A_108 = arith.cmpi ne, %rem3A, %ne3A_107 : i32
      %and3A_109 = arith.andi %ne3A, %ne3A_108 : i1
      %sub3A_110 = arith.constant 1 : i32
      %sub3A_111 = arith.subi %div3A_93, %sub3A_110 : i32
      %select_n3A = arith.select %and3A_109, %sub3A_111, %div3A_93 : i32
      %while3A_112 = arith.constant 0 : i32
      %while3A_113 = arith.constant 0 : i32
      %while3A_114 = arith.subi %select_n3A, %while3A_113 : i32
      %while3A_115 = arith.addi %while3A_113, %while3A_114 : i32
      %while3A_116 = arith.constant 1 : i32
      %while3A_117 = arith.divsi %while3A_114, %while3A_116 : i32
      %while3A_118 = arith.muli %while3A_117, %while3A_116 : i32
      %while3A_119 = arith.addi %while3A_113, %while3A_118 : i32
      %while3A_120 = arith.constant 1 : i32
      scf.for %while3A_122 = %while3A_113 to %while3A_119 step %while3A_120  : i32 {
        %add3A_123 = arith.constant 128 : i32
        %add3A_124 = arith.addi %mul3A_8, %add3A_123 : i32
        %mul3A_125 = arith.constant 1024 : i32
        %mul3A_126 = arith.muli %while3A_122, %mul3A_125 : i32
        %add3A_127 = arith.addi %add3A_124, %mul3A_126 : i32
        %min3A_128 = arith.constant 4096 : i32
        %min3A_129 = arith.minsi %add3A_127, %min3A_128 : i32
        %get3A_130 = arith.constant 0 : index
        %get3A_131 = arith.index_cast %min3A_129 : i32 to index
        %get3A_132 = vector.load %arg1[%get3A_130, %get3A_131] : memref<4x5120xf32, #tpu.memory_space<vmem>>, vector<4x1024xf32>
        %slice3A_133 = vector.extract_strided_slice %get3A_132 {offsets = [0, 0], sizes = [1, 1024], strides = [1, 1]} : vector<4x1024xf32> to vector<1x1024xf32>
        %slice3A_134 = vector.extract_strided_slice %get3A_132 {offsets = [1, 0], sizes = [1, 1024], strides = [1, 1]} : vector<4x1024xf32> to vector<1x1024xf32>
        %slice3A_135 = vector.extract_strided_slice %get3A_132 {offsets = [2, 0], sizes = [1, 1024], strides = [1, 1]} : vector<4x1024xf32> to vector<1x1024xf32>
        %slice3A_136 = vector.extract_strided_slice %get3A_132 {offsets = [3, 0], sizes = [1, 1024], strides = [1, 1]} : vector<4x1024xf32> to vector<1x1024xf32>
        %sub3A_137 = arith.subf %slice3A_135, %slice3A_133 : vector<1x1024xf32>
        %sub3A_138 = arith.subf %slice3A_136, %slice3A_134 : vector<1x1024xf32>
        %mul3A_139 = arith.mulf %sub3A_137, %sub3A_138 : vector<1x1024xf32>
        %min3A_140 = vector.broadcast %slice3A_12 : vector<128x1xf32> to vector<128x1024xf32>
        %min3A_141 = vector.broadcast %slice3A_135 : vector<1x1024xf32> to vector<128x1024xf32>
        %min3A_142 = arith.minimumf %min3A_140, %min3A_141 : vector<128x1024xf32>
        %max3A_143 = vector.broadcast %slice3A : vector<128x1xf32> to vector<128x1024xf32>
        %max3A_144 = vector.broadcast %slice3A_133 : vector<1x1024xf32> to vector<128x1024xf32>
        %max3A_145 = arith.maximumf %max3A_143, %max3A_144 : vector<128x1024xf32>
        %sub3A_146 = arith.subf %min3A_142, %max3A_145 : vector<128x1024xf32>
        %max3A_147 = arith.constant 0.000000e+00 : f32
        %max3A_148 = vector.broadcast %max3A_147 : f32 to vector<128x1024xf32>
        %max3A_149 = arith.maximumf %sub3A_146, %max3A_148 : vector<128x1024xf32>
        %min3A_150 = vector.broadcast %slice3A_13 : vector<128x1xf32> to vector<128x1024xf32>
        %min3A_151 = vector.broadcast %slice3A_136 : vector<1x1024xf32> to vector<128x1024xf32>
        %min3A_152 = arith.minimumf %min3A_150, %min3A_151 : vector<128x1024xf32>
        %max3A_153 = vector.broadcast %slice3A_11 : vector<128x1xf32> to vector<128x1024xf32>
        %max3A_154 = vector.broadcast %slice3A_134 : vector<1x1024xf32> to vector<128x1024xf32>
        %max3A_155 = arith.maximumf %max3A_153, %max3A_154 : vector<128x1024xf32>
        %sub3A_156 = arith.subf %min3A_152, %max3A_155 : vector<128x1024xf32>
        %max3A_157 = arith.constant 0.000000e+00 : f32
        %max3A_158 = vector.broadcast %max3A_157 : f32 to vector<128x1024xf32>
        %max3A_159 = arith.maximumf %sub3A_156, %max3A_158 : vector<128x1024xf32>
        %mul3A_160 = arith.mulf %max3A_149, %max3A_159 : vector<128x1024xf32>
        %add3A_161 = vector.broadcast %mul3A_15 : vector<128x1xf32> to vector<128x1024xf32>
        %add3A_162 = vector.broadcast %mul3A_139 : vector<1x1024xf32> to vector<128x1024xf32>
        %add3A_163 = arith.addf %add3A_161, %add3A_162 : vector<128x1024xf32>
        %sub3A_164 = arith.subf %add3A_163, %mul3A_160 : vector<128x1024xf32>
        %add3A_165 = arith.constant 9.99999971E-10 : f32
        %add3A_166 = vector.broadcast %add3A_165 : f32 to vector<128x1024xf32>
        %add3A_167 = arith.addf %sub3A_164, %add3A_166 : vector<128x1024xf32>
        %div3A_168 = arith.divf %mul3A_160, %add3A_167 : vector<128x1024xf32>
        %gt3A_169 = arith.constant 5.000000e-01 : f32
        %gt3A_170 = vector.broadcast %gt3A_169 : f32 to vector<128x1024xf32>
        %gt3A_171 = arith.cmpf ogt, %div3A_168, %gt3A_170 : vector<128x1024xf32>
        %convert_element_type3A_172 = arith.extui %gt3A_171 : vector<128x1024xi1> to vector<128x1024xi32>
        %convert_element_type3A_173 = arith.sitofp %convert_element_type3A_172 : vector<128x1024xi32> to vector<128x1024xf32>
        %dot_general3A = arith.constant dense<0.000000e+00> : vector<1x1024xf32>
        %dot_general3A_174 = tpu.matmul %convert_element_type3A_83, %convert_element_type3A_173, %dot_general3A {dimension_numbers = #tpu.dot_dimension_numbers<[1], [0], [0], [1], [0, 0, 1, 1], [], []>, transpose_lhs_hint = false} : vector<1x128xf32>, vector<128x1024xf32>, vector<1x1024xf32> -> vector<1x1024xf32>
        %add3A_175 = vector.broadcast %min3A_129 : i32 to vector<1x1024xi32>
        %add3A_176 = arith.addi %add3A_175, %iota3A_84 : vector<1x1024xi32>
        %add3A_177 = arith.constant 128 : i32
        %add3A_178 = arith.addi %mul3A_8, %add3A_177 : i32
        %ge3A = vector.broadcast %add3A_178 : i32 to vector<1x1024xi32>
        %ge3A_179 = arith.cmpi sge, %add3A_176, %ge3A : vector<1x1024xi32>
        %get3A_180 = arith.constant 0 : index
        %get3A_181 = arith.index_cast %min3A_129 : i32 to index
        %get3A_182 = vector.load %arg2[%get3A_180, %get3A_181] : memref<1x5120xi32, #tpu.memory_space<vmem>>, vector<1x1024xi32>
        %gt3A_183 = arith.constant 0.000000e+00 : f32
        %gt3A_184 = vector.broadcast %gt3A_183 : f32 to vector<1x1024xf32>
        %gt3A_185 = arith.cmpf ogt, %dot_general3A_174, %gt3A_184 : vector<1x1024xf32>
        %and3A_186 = arith.andi %gt3A_185, %ge3A_179 : vector<1x1024xi1>
        %convert_element_type3A_187 = arith.extui %and3A_186 : vector<1x1024xi1> to vector<1x1024xi32>
        %or3A = arith.ori %get3A_182, %convert_element_type3A_187 : vector<1x1024xi32>
        %swap3A_188 = arith.constant 0 : index
        %swap3A_189 = arith.index_cast %min3A_129 : i32 to index
        %swap3A_190 = vector.load %arg2[%swap3A_188, %swap3A_189] : memref<1x5120xi32, #tpu.memory_space<vmem>>, vector<1x1024xi32>
        tpu.vector_store %arg2[%swap3A_188, %swap3A_189], %or3A {strides = array<i32>} : memref<1x5120xi32, #tpu.memory_space<vmem>>, vector<1x1024xi32>,
      }
      %while3A_121 = arith.constant 1 : i32
      scf.for %while3A_122 = %while3A_119 to %while3A_115 step %while3A_121  : i32 {
        %add3A_123 = arith.constant 128 : i32
        %add3A_124 = arith.addi %mul3A_8, %add3A_123 : i32
        %mul3A_125 = arith.constant 1024 : i32
        %mul3A_126 = arith.muli %while3A_122, %mul3A_125 : i32
        %add3A_127 = arith.addi %add3A_124, %mul3A_126 : i32
        %min3A_128 = arith.constant 4096 : i32
        %min3A_129 = arith.minsi %add3A_127, %min3A_128 : i32
        %get3A_130 = arith.constant 0 : index
        %get3A_131 = arith.index_cast %min3A_129 : i32 to index
        %get3A_132 = vector.load %arg1[%get3A_130, %get3A_131] : memref<4x5120xf32, #tpu.memory_space<vmem>>, vector<4x1024xf32>
        %slice3A_133 = vector.extract_strided_slice %get3A_132 {offsets = [0, 0], sizes = [1, 1024], strides = [1, 1]} : vector<4x1024xf32> to vector<1x1024xf32>
        %slice3A_134 = vector.extract_strided_slice %get3A_132 {offsets = [1, 0], sizes = [1, 1024], strides = [1, 1]} : vector<4x1024xf32> to vector<1x1024xf32>
        %slice3A_135 = vector.extract_strided_slice %get3A_132 {offsets = [2, 0], sizes = [1, 1024], strides = [1, 1]} : vector<4x1024xf32> to vector<1x1024xf32>
        %slice3A_136 = vector.extract_strided_slice %get3A_132 {offsets = [3, 0], sizes = [1, 1024], strides = [1, 1]} : vector<4x1024xf32> to vector<1x1024xf32>
        %sub3A_137 = arith.subf %slice3A_135, %slice3A_133 : vector<1x1024xf32>
        %sub3A_138 = arith.subf %slice3A_136, %slice3A_134 : vector<1x1024xf32>
        %mul3A_139 = arith.mulf %sub3A_137, %sub3A_138 : vector<1x1024xf32>
        %min3A_140 = vector.broadcast %slice3A_12 : vector<128x1xf32> to vector<128x1024xf32>
        %min3A_141 = vector.broadcast %slice3A_135 : vector<1x1024xf32> to vector<128x1024xf32>
        %min3A_142 = arith.minimumf %min3A_140, %min3A_141 : vector<128x1024xf32>
        %max3A_143 = vector.broadcast %slice3A : vector<128x1xf32> to vector<128x1024xf32>
        %max3A_144 = vector.broadcast %slice3A_133 : vector<1x1024xf32> to vector<128x1024xf32>
        %max3A_145 = arith.maximumf %max3A_143, %max3A_144 : vector<128x1024xf32>
        %sub3A_146 = arith.subf %min3A_142, %max3A_145 : vector<128x1024xf32>
        %max3A_147 = arith.constant 0.000000e+00 : f32
        %max3A_148 = vector.broadcast %max3A_147 : f32 to vector<128x1024xf32>
        %max3A_149 = arith.maximumf %sub3A_146, %max3A_148 : vector<128x1024xf32>
        %min3A_150 = vector.broadcast %slice3A_13 : vector<128x1xf32> to vector<128x1024xf32>
        %min3A_151 = vector.broadcast %slice3A_136 : vector<1x1024xf32> to vector<128x1024xf32>
        %min3A_152 = arith.minimumf %min3A_150, %min3A_151 : vector<128x1024xf32>
        %max3A_153 = vector.broadcast %slice3A_11 : vector<128x1xf32> to vector<128x1024xf32>
        %max3A_154 = vector.broadcast %slice3A_134 : vector<1x1024xf32> to vector<128x1024xf32>
        %max3A_155 = arith.maximumf %max3A_153, %max3A_154 : vector<128x1024xf32>
        %sub3A_156 = arith.subf %min3A_152, %max3A_155 : vector<128x1024xf32>
        %max3A_157 = arith.constant 0.000000e+00 : f32
        %max3A_158 = vector.broadcast %max3A_157 : f32 to vector<128x1024xf32>
        %max3A_159 = arith.maximumf %sub3A_156, %max3A_158 : vector<128x1024xf32>
        %mul3A_160 = arith.mulf %max3A_149, %max3A_159 : vector<128x1024xf32>
        %add3A_161 = vector.broadcast %mul3A_15 : vector<128x1xf32> to vector<128x1024xf32>
        %add3A_162 = vector.broadcast %mul3A_139 : vector<1x1024xf32> to vector<128x1024xf32>
        %add3A_163 = arith.addf %add3A_161, %add3A_162 : vector<128x1024xf32>
        %sub3A_164 = arith.subf %add3A_163, %mul3A_160 : vector<128x1024xf32>
        %add3A_165 = arith.constant 9.99999971E-10 : f32
        %add3A_166 = vector.broadcast %add3A_165 : f32 to vector<128x1024xf32>
        %add3A_167 = arith.addf %sub3A_164, %add3A_166 : vector<128x1024xf32>
        %div3A_168 = arith.divf %mul3A_160, %add3A_167 : vector<128x1024xf32>
        %gt3A_169 = arith.constant 5.000000e-01 : f32
        %gt3A_170 = vector.broadcast %gt3A_169 : f32 to vector<128x1024xf32>
        %gt3A_171 = arith.cmpf ogt, %div3A_168, %gt3A_170 : vector<128x1024xf32>
        %convert_element_type3A_172 = arith.extui %gt3A_171 : vector<128x1024xi1> to vector<128x1024xi32>
        %convert_element_type3A_173 = arith.sitofp %convert_element_type3A_172 : vector<128x1024xi32> to vector<128x1024xf32>
        %dot_general3A = arith.constant dense<0.000000e+00> : vector<1x1024xf32>
        %dot_general3A_174 = tpu.matmul %convert_element_type3A_83, %convert_element_type3A_173, %dot_general3A {dimension_numbers = #tpu.dot_dimension_numbers<[1], [0], [0], [1], [0, 0, 1, 1], [], []>, transpose_lhs_hint = false} : vector<1x128xf32>, vector<128x1024xf32>, vector<1x1024xf32> -> vector<1x1024xf32>
        %add3A_175 = vector.broadcast %min3A_129 : i32 to vector<1x1024xi32>
        %add3A_176 = arith.addi %add3A_175, %iota3A_84 : vector<1x1024xi32>
        %add3A_177 = arith.constant 128 : i32
        %add3A_178 = arith.addi %mul3A_8, %add3A_177 : i32
        %ge3A = vector.broadcast %add3A_178 : i32 to vector<1x1024xi32>
        %ge3A_179 = arith.cmpi sge, %add3A_176, %ge3A : vector<1x1024xi32>
        %get3A_180 = arith.constant 0 : index
        %get3A_181 = arith.index_cast %min3A_129 : i32 to index
        %get3A_182 = vector.load %arg2[%get3A_180, %get3A_181] : memref<1x5120xi32, #tpu.memory_space<vmem>>, vector<1x1024xi32>
        %gt3A_183 = arith.constant 0.000000e+00 : f32
        %gt3A_184 = vector.broadcast %gt3A_183 : f32 to vector<1x1024xf32>
        %gt3A_185 = arith.cmpf ogt, %dot_general3A_174, %gt3A_184 : vector<1x1024xf32>
        %and3A_186 = arith.andi %gt3A_185, %ge3A_179 : vector<1x1024xi1>
        %convert_element_type3A_187 = arith.extui %and3A_186 : vector<1x1024xi1> to vector<1x1024xi32>
        %or3A = arith.ori %get3A_182, %convert_element_type3A_187 : vector<1x1024xi32>
        %swap3A_188 = arith.constant 0 : index
        %swap3A_189 = arith.index_cast %min3A_129 : i32 to index
        %swap3A_190 = vector.load %arg2[%swap3A_188, %swap3A_189] : memref<1x5120xi32, #tpu.memory_space<vmem>>, vector<1x1024xi32>
        tpu.vector_store %arg2[%swap3A_188, %swap3A_189], %or3A {strides = array<i32>} : memref<1x5120xi32, #tpu.memory_space<vmem>>, vector<1x1024xi32>,
      }
    }
    %scan3A_6 = arith.constant 40 : i32
    return
  }
}

</mosaic_0001>

<sc_bundles>
// kernel: gather_offload_async_start.1
scs
__scs_entry_jumppad:
0x0: {  	(pc) =	sbr.rel $0x88, $3  }
0x1: {  	(tag) =	ssettag $0x0;
	lr =	simm.s32 $0x1  }
0x2: {  	[smem:$0x3F9E] =	sst lr;
	_ =	strace $0xD0000000  }
0x3: {  	_ = 	snop  }
0x4: {  	_ = 	snop  }
0x5: {  	_ = 	snop  }
0x6: {  	_ = 	snop  }
0x7: {  	_ = 	snop  }
__scs_overlays_trampoline_lowered:
0x8: {  	[smem:$0x3FAD] =	sst s0  }
0x9: {  	[smem:$0x3FAE] =	sst s1  }
0xa: {  	[smem:$0x3FAF] =	sst s2  }
0xb: {  	[smem:$0x3FB0] =	sst s3  }
0xc: {  	[smem:$0x3FB1] =	sst s4  }
0xd: {  	[smem:$0x3FB2] =	sst s5  }
0xe: {  	[smem:$0x3FB3] =	sst s6  }
0xf: {  	[smem:$0x3FB4] =	sst s7  }
0x10: {  	[smem:$0x3FB5] =	sst s8  }
0x11: {  	[smem:$0x3FB6] =	sst s9;
	s0 =	simm.s32 @!p0 $0x0  }
0x12: {  	s1 =	sld [smem:$0x3F9C];
	s0 =	simm.s32 @p0 $0x1  }
0x13: {  	[smem:$0x3FB7] =	sst s0;
	s0 =	simm.s32 @!p1 $0x0  }
0x14: {  	s2 =	sld [smem:$0x3F9B];
	s0 =	simm.s32 @p1 $0x1  }
0x15: {  	[smem:$0x3FB8] =	sst s0;
	s0 =	simm.s32 @!p2 $0x0  }
0x16: {  	s3 =	sld [smem:$0x3FDB];
	s0 =	simm.s32 @p2 $0x1  }
0x17: {  	s4 =	simm.s32 $0x1BF5;
	[smem:$0x3FBA] =	sst s0  }
0x18: {  	s0 =	sld [smem:$0x3F9D];
	_ =	swait.ge [sflag:s4], $0x0  }
0x19: {  	s7 =	sld [smem:$0x3F9E]  }
0x1a: {  	s8 =	sadd.s32 $0xFFFFE003, lr  }
0x1b: {  	s9 =	sadd.s32 $0xFFFFFEF7, lr;
	s5 =	simm.s32 $0xFFFFFFFF;
	p2 =	slt.u32 s8, $0xFFFFF086  }
0x1c: {  	p1 =	slt.u32 s9, $0xF7A;
	s5 =	simm.s32 @!p2 $0x0  }
0x1d: {  	s5 =	simm.s32 @p1 $0x1;
	p0 =	seq.s32 s7, s2  }
0x1e: {  	s7 =	smul.u32 @!p0 $0xF7A, s2;
	p2 =	seq.s32 @!p0 s5, $0x0  }
0x1f: {  	s9 =	smul.u32 $0xF7A, s1;
	s8 =	simm.s32 @!p0 $0x1BF5;
	p2 =	por !p2, p0  }
0x20: {  	[sflag:s8] =	ssyncset.s32 @!p0 $0xFFFFF086;
	s6 =	sadd.s32 @!p0 s3, s7;
	s7 =	simm.s32 @!p0 $0x108  }
0x21: {  	s3 =	sadd.s32 s3, s9;
	s6 =	sadd.s32 @!p0 $0x88, s6;
	s7 =	simm.s32 @p2 $0x1082  }
0x22: {  	[simem:s7], [sflag:s8] =	dma.local @!p0 [hbm:s6], $0xF7A  }
0x23: {  	s9 =	sor.u32 $0xD0000000, s2;
	s6 =	simm.s32 $0x108;
	_ =	swait.ge @!p0 [sflag:s8], $0x0  }
0x24: {  	s3 =	sadd.s32 $0x88, s3;
	s6 =	simm.s32 @!p1 $0x1082;
	[sflag:s4] =	ssyncset.s32 $0xFFFFF086  }
0x25: {  	[simem:s6], [sflag:s4] =	dma.local [hbm:s3], $0xF7A  }
0x26: {  	[smem:$0x3F9E] =	sst s1;
	(tag) =	ssettag s2;
	_ =	strace s9  }
0x27: {  	s1 =	sld [smem:$0x3FAE]  }
0x28: {  	s2 =	sld [smem:$0x3FAF]  }
0x29: {  	s4 =	sld [smem:$0x3FB1]  }
0x2a: {  	p0 =	seq.s32 s5, $0x0;
	s5 =	sld [smem:$0x3FB2]  }
0x2b: {  	s6 =	sld [smem:$0x3FB3]  }
0x2c: {  	s7 =	sld [smem:$0x3FB4]  }
0x2d: {  	s3 =	simm.s32 $0x108;
	s8 =	sld [smem:$0x3FB5]  }
0x2e: {  	s3 =	simm.s32 @!p0 $0x1082;
	s9 =	sld [smem:$0x3FB6]  }
0x2f: {  	lr =	sadd.s32 s0, s3;
	s0 =	sld [smem:$0x3FAD]  }
0x30: {  	s3 =	sld [smem:$0x3FB0]  }
0x31: {  	[smem:$0x3FB9] =	sst s10  }
0x32: {  	s10 =	sld [smem:$0x3FB7];
	_ =	sdelay $0x3  }
0x33: {  	p0 =	seq.s32 s10, $0x1;
	s10 =	sld [smem:$0x3FB9];
	_ =	sdelay $0x3  }
0x34: {  	[smem:$0x3FB9] =	sst s10  }
0x35: {  	s10 =	sld [smem:$0x3FB8];
	_ =	sdelay $0x3  }
0x36: {  	p1 =	seq.s32 s10, $0x1;
	s10 =	sld [smem:$0x3FB9];
	_ =	sdelay $0x3  }
0x37: {  	[smem:$0x3FB9] =	sst s10  }
0x38: {  	s10 =	sld [smem:$0x3FBA]  }
0x39: {  	_ = 	snop;
	(pc) =	sbr.ind lr, $3  }
0x3a: {  	_ = 	snop  }
0x3b: {  	_ = 	snop  }
0x3c: {  	p2 =	seq.s32 s10, $0x1;
	s10 =	sld [smem:$0x3FB9]  }
0x3d: {  	_ =	shalt  }
0x3e: {  	_ =	shalt  }
0x3f: {  	_ =	shalt  }
0x40: {  	_ =	shalt  }
0x41: {  	_ =	shalt  }
0x42: {  	_ =	shalt  }
0x43: {  	_ =	shalt  }
0x44: {  	_ =	shalt  }
0x45: {  	_ =	shalt  }
0x46: {  	_ =	shalt  }
0x47: {  	_ =	shalt  }
0x48: {  	_ =	shalt  }
0x49: {  	_ =	shalt  }
0x4a: {  	_ =	shalt  }
0x4b: {  	_ =	shalt  }
0x4c: {  	_ =	shalt  }
0x4d: {  	_ =	shalt  }
0x4e: {  	_ =	shalt  }
0x4f: {  	_ =	shalt  }
0x50: {  	_ =	shalt  }
0x51: {  	_ =	shalt  }
0x52: {  	_ =	shalt  }
0x53: {  	_ =	shalt  }
0x54: {  	_ =	shalt  }
0x55: {  	_ =	shalt  }
0x56: {  	_ =	shalt  }
0x57: {  	_ =	shalt  }
0x58: {  	_ =	shalt  }
0x59: {  	_ =	shalt  }
0x5a: {  	_ =	shalt  }
0x5b: {  	_ =	shalt  }
0x5c: {  	_ =	shalt  }
0x5d: {  	_ =	shalt  }
0x5e: {  	_ =	shalt  }
0x5f: {  	_ =	shalt  }
0x60: {  	_ =	shalt  }
0x61: {  	_ =	shalt  }
0x62: {  	_ =	shalt  }
0x63: {  	_ =	shalt  }
0x64: {  	_ =	shalt  }
0x65: {  	_ =	shalt  }
0x66: {  	_ =	shalt  }
0x67: {  	_ =	shalt  }
0x68: {  	_ =	shalt  }
0x69: {  	_ =	shalt  }
0x6a: {  	_ =	shalt  }
0x6b: {  	_ =	shalt  }
0x6c: {  	_ =	shalt  }
0x6d: {  	_ =	shalt  }
0x6e: {  	_ =	shalt  }
0x6f: {  	_ =	shalt  }
0x70: {  	_ =	shalt  }
0x71: {  	_ =	shalt  }
0x72: {  	_ =	shalt  }
0x73: {  	_ =	shalt  }
0x74: {  	_ =	shalt  }
0x75: {  	_ =	shalt  }
0x76: {  	_ =	shalt  }
0x77: {  	_ =	shalt  }
0x78: {  	_ =	shalt  }
0x79: {  	_ =	shalt  }
0x7a: {  	_ =	shalt  }
0x7b: {  	_ =	shalt  }
0x7c: {  	_ =	shalt  }
0x7d: {  	_ =	shalt  }
0x7e: {  	_ =	shalt  }
0x7f: {  	_ =	shalt  }
0x80: {  	_ =	shalt  }
0x81: {  	_ =	shalt  }
0x82: {  	_ =	shalt  }
0x83: {  	_ =	shalt  }
0x84: {  	_ =	shalt  }
0x85: {  	_ =	shalt  }
0x86: {  	_ =	shalt  }
0x87: {  	_ =	shalt  }
.Lfunc_end0:
.L_simem_size_0:
called_computation.1_lowered:
.L_overlay_start_0:
0x88: {  	s0 =	sld [smem:$0x3FD9]  }
0x89: {  	s1 =	sld [smem:$0x3FFE];
	_ =	sdelay $0x3  }
0x8a: {  	s0 =	sadd.s32 s1, s0  }
0x8b: {  	[smem:$0x3FC5] =	sst s0  }
0x8c: {  	_ = 	snop  }
0x8d: {  	s0 =	sld [smem:$0x3FC8];
	(tm) =	ssettm $0x1  }
0x8e: {  	s16 =	sld [smem:$0x3FFB];
	_ =	sdelay $0x3  }
0x8f: {  	_ =	strace s16  }
0x90: {  	s1 =	sld [smem:$0x3FFC];
	_ =	sdelay $0x3  }
0x91: {  	_ =	strace s1  }
0x92: {  	s1 =	sld [smem:$0x3FFD];
	_ =	sdelay $0x3  }
0x93: {  	_ =	strace s1  }
0x94: {  	_ =	strace $0x8FFFFFFF  }
0x95: {  	s17 =	sld [smem:$0x3FDB];
	_ =	sdelay $0x1  }
0x96: {  	s2 =	simm.s32 $_scs_section_size  }
0x97: {  	s3 =	simm.s32 $_size__tile_overlayer_lowered;
	s4 =	simm.s32 $_tile_overlayer_lowered  }
0x98: {  	s20 =	simm.s32 $0x1BFF;
	s19 =	sshll.u32 s4, $0x1;
	s1 =	sadd.s32 s2, s17  }
0x99: {  	s5 =	simm.s32 $0x0;
	s18 =	sshll.u32 s3, $0x1;
	s3 =	sadd.s32 s19, s1  }
0x9a: {  	[timem:s5], [sflag:s20] =	dma.local [hbm:s3], s18  }
0x9b: {  	_ =	swait.ge [sflag:s20], s18  }
0x9c: {  	s2 =	ssub.s32 $0x0, s18;
	[sflag:s20] =	ssyncset.done $0x0  }
0x9d: {  	[sflag:s20] =	ssyncadd.s32 s2;
	_ =	sdelay $0x1  }
0x9e: {  	s21 =	simm.s32 $0x1B8B  }
0x9f: {  	_ =	swait.ge [sflag:s21], $0x1  }
0xa0: {  	[sflag:s21] =	ssyncset.done $0x0  }
0xa1: {  	s23 =	simm.s32 $0x1B8E;
	s22 =	sld [smem:$0x3FFE];
	[sflag:s21] =	ssyncadd.s32 $0xFFFFFFFF  }
0xa2: {  	s24 =	simm.s32 $execute0_lowered;
	[smem:$0x3FD2] =	sst s23  }
0xa3: {  	s3 =	sshll.u32 s24, $0x1;
	_ =	strace $0x80000049;
	[dreg:$0x1] =	wrdreg $0xFFFFFFFF  }
0xa4: {  	s25 =	simm.s32 $_size_execute0_lowered;
	s1 =	sadd.s32 s1, s3;
	[dreg:$0x0] =	wrdreg $0x0  }
0xa5: {  	s3 =	sshll.u32 s25, $0x1;
	[dreg:$0x2] =	wrdreg s1  }
0xa6: {  	[dreg:$0x3] =	wrdreg s3  }
0xa7: {  	[dreg:$0x4] =	wrdreg $0xC0  }
0xa8: {  	_ =	task [dreg:s5], $0x5FFFF  }
0xa9: {  	[dreg:$0x1] =	wrdreg $0xFFFFFFFF  }
0xaa: {  	[dreg:$0x0] =	wrdreg $0x60  }
0xab: {  	[dreg:$0x2] =	wrdreg s0  }
0xac: {  	[dreg:$0x3] =	wrdreg s22  }
0xad: {  	[dreg:$0x4] =	wrdreg $0x9  }
0xae: {  	_ =	task.clear_ibuf [dreg:s5], $0x5FFFF;
	_ =	strace $0x90000049  }
0xaf: {  	s26 =	simm.s32 $0x9;
	_ =	strace $0x8000004B  }
0xb0: {  	_ =	swait.ge [sflag:s26], $0x1  }
0xb1: {  	[sflag:s26] =	ssyncadd.s32 $0xFFFFFFFF  }
0xb2: {  	_ =	strace $0x9000004B  }
0xb3: {  	_ =	sfence  }
0xb4: {  	s28 =	sld [smem:$0x0];
	_ =	sdelay $0x1  }
0xb5: {  	s29 =	srdreg.scid  }
0xb6: {  	s30 =	sshll.u32 s29, $0xD;
	s31 =	sshrl.u32 s29, $0x2  }
0xb7: {  	s2 =	sand.u32 $0x4000, s30;
	s1 =	sand.u32 $0x1, s29;
	s0 =	sadd.s32 s31, s28  }
0xb8: {  	s1 =	sor.u32 s2, s1;
	s0 =	sshll.u32 s0, $0x11  }
0xb9: {  	s0 =	sor.u32 s0, s1  }
0xba: {  	s0 =	sadd.s32 $0x8F2B, s0  }
0xbb: {  	[sflag:s0] =	ssyncadd.remote.s32 $0x1  }
0xbc: {  	_ =	sfence.sel $0xFFFF  }
0xbd: {  	[dreg:$0x0] =	wrdreg $0xFFFFFFFF;
	(pc) =	sbr.abs _section_cstart, $3  }
0xbe: {  	[dreg:$0x1] =	wrdreg $0xFFFFFFFF  }
0xbf: {  	_ =	task.clear_ibuf [dreg:s5], $0x2FFFF;
	_ =	strace $0x9FFFFFFF  }
0xc0: {  	(tm) =	ssettm $0x7FFFFFFF  }
0xc1: {  	_ =	shalt  }
tec
execute0_lowered:
.L_overlay_start_1:
0x0: {  	(tag) =	ssettag $0x1  }
0x1: {  	s2 =	rddreg [dreg:$0x0]  }
0x2: {  	s3 =	rddreg [dreg:$0x1]  }
0x3: {  	s0 =	rddreg [dreg:$0x2];
	s1 =	stileid.u32  }
0x4: {  	_ =	strace $0x8000004A;
	s6 =	simm.s32 $0x1;
	s8 =	simm.s32 $0x2  }
0x5: {  	s30 =	simm.s32 $0x3;
	s12 =	simm.s32 $0x0;
	s4 =	sshll.u32 s1, $0x4  }
0x6: {  	s9 =	simm.s32 $0x0;
	s10 =	simm.s32 $0x0;
	s7 =	ssub.s32 $0x1380, s4  }
0x7: {  	s5 =	sadd.s32 $0x400, s3;
	[sflag:s6] =	ssyncpa.u1 $0x0;
	s6 =	sshrl.u32 s7, $0x8  }
0x8: {  	[sflag:s8] =	ssyncpa.u1 $0x0;
	s11 =	smov.u32 s4;
	s31 =	sshll.u32 s6, $0x4  }
0x9: {  	[sflag:s30] =	ssyncpa.u1 $0x0;
	s7 =	sadd.s32 $0x2, s6;
	s8 =	sadd.s32 $0x30, s31  }
.LBB2_1:
0xa: {  	p0 =	sgt.u32 s10, s6  }
0xb: {  	s13 =	sxor.u32 @!p0 $0xFFFFFFFF, s9;
	s14 =	sshrl.u32 @!p0 s11, $0x3  }
0xc: {  	s15 =	sand.u32 @!p0 $0x7, s11;
	s13 =	sand.u32 @!p0 $0x10, s13;
	s14 =	sadd.s32 @!p0 s3, s14  }
0xd: {  	[tilespmem:s13], [sflag:$0x2] =	stream.linear.gather @!p0 [hbm4b:s14+s15], $0x10, $0x38;
	[tilespmem:$0x40] =	vst v63  }
0xe: {  	p0 =	seq.s32 s9, $0x0  }
0xf: {  	p1 =	sge.u32 @!p0 s10, s7  }
0x10: {  	p0 =	por p1, p0  }
0x11: {  	s13 =	simm.s32 @!p0 $0x2  }
0x12: {  	_ =	swait.ge @!p0 [sflag:s13], $0x10  }
0x13: {  	[sflag:s13] =	ssyncset.done @!p0 $0x0  }
0x14: {  	[sflag:s13] =	ssyncadd.s32 @!p0 $0xFFFFFFF0;
	s13 =	sand.u32 @!p0 $0x10, s9  }
0x15: {  	(ifvalue) =	ssetifvalue @!p0 $0x7FFFFFFF;
	v0 =	vld.msk @!p0 [tilespmem:s13+$0x0 ss:$0x1], $0xffff;
	_ =	sdelay $0x4  }
0x16: {  	vm0 =	vgt.s32 @!p0 v0, $0x0  }
0x17: {  	v0 =	vnsel @!p0 vm0, $0x0, v0  }
0x18: {  	v0 =	vmin.u32 @!p0 v0, $0x1387;
	_ =	sdelay $0x3  }
0x19: {  	s14 =	simm.s32 @!p0 $0x0;
	s13 =	sor.u32 @!p0 $0x20, s13;
	(ifvalue) =	ssetifvalue @!p0 $0x7FFFFFFF;
	vm0 =	vmmov @!p0 $0xffff  }
0x1a: {  	[tilespmem:s13], [sflag:$0x1] =	stream.indirect_vreg.gather @!p0 [hbm4b:s2+s14], $0x1, v0, vm0, $0x4038;
	[tilespmem:$0x40] =	vst v63  }
0x1b: {  	s14 =	simm.s32 @!p0 $0x1  }
0x1c: {  	_ =	swait.ge @!p0 [sflag:s14], $0x10  }
0x1d: {  	s15 =	sshrl.u32 @!p0 s12, $0x3;
	[sflag:s14] =	ssyncset.done @!p0 $0x0  }
0x1e: {  	s12 =	sand.u32 @!p0 $0x7, s12;
	[sflag:s14] =	ssyncadd.s32 @!p0 $0xFFFFFFF0;
	s14 =	sadd.s32 @!p0 s5, s15  }
0x1f: {  	[hbm4b:s14+s12] =	stream.linear.scatter @!p0 [tilespmem:s13], [sflag:$0x3], $0x10, $0x38;
	[tilespmem:$0x40] =	vst v63  }
0x20: {  	s14 =	sadd.s32 $0x100, s11  }
0x21: {  	s9 =	sadd.s32 $0x10, s9;
	p1 =	sgt.s32 s14, $0x1387  }
0x22: {  	s14 =	smov.u32 @p1 s4;
	p1 =	sne.s32 s8, s9  }
.Ltmp0:
0x23: {  	p0 =	slt.u32 s10, $0x2;
	(pc) =	sbr.rel @p1 .LBB2_1-.Ltmp0, $4  }
0x24: {  	s13 =	simm.s32 @!p0 $0x3  }
0x25: {  	_ =	swait.ge @!p0 [sflag:s13], $0x10  }
0x26: {  	s12 =	smov.u32 s11;
	[sflag:s13] =	ssyncset.done @!p0 $0x0  }
0x27: {  	s10 =	sadd.s32 $0x1, s10;
	s11 =	smov.u32 s14;
	[sflag:s13] =	ssyncadd.s32 @!p0 $0xFFFFFFF0  }
0x28: {  	_ =	sfence.sel $0x180000  }
0x29: {  	s2 =	simm.s32 $0x2;
	[bflag:$0x0] =	sbarrier.arrive $0xFFFF  }
0x2a: {  	s30 =	simm.s32 $0x3;
	[sflag:s2] =	ssyncpa.u1 $0x1  }
0x2b: {  	s31 =	simm.s32 $0x1;
	[sflag:s30] =	ssyncpa.u1 $0x1  }
0x2c: {  	[sflag:s31] =	ssyncpa.u1 $0x1  }
0x2d: {  	p0 =	sne.s32 s1, $0x0;
	_ =	strace $0x9000004A  }
0x2e: {  	s0 =	sadd.s32 @!p0 $0x100000, s0;
	[bflag:$0x2] =	sbarrier.arrive $0xFFFF  }
0x2f: {  	[sflag:s0] =	ssyncadd.tile.s32 @!p0 $0x1;
	_ =	shalt  }
.Lfunc_end2:
_tile_overlayer_lowered:
.L_overlay_start_2:
0x30: {  	(tag) =	ssettag $0x2  }
0x31: {  	s0 =	rddreg [dreg:$0x0];
	s2 =	stileid.u32  }
0x32: {  	s1 =	rddreg [dreg:$0x1];
	p0 =	sne.s32 s2, $0x0  }
0x33: {  	s3 =	rddreg [dreg:$0x2];
	[bflag:$0x3] =	sbarrier.arrive $0xFFFF;
	s2 =	simm.s32 @!p0 $0x1C01  }
0x34: {  	[timem:s3], [sflag:s2] =	dma.local @!p0 [hbm:s0], s1  }
0x35: {  	s0 =	simm.s32 @!p0 $0x1  }
0x36: {  	_ =	swait.ge @!p0 [sflag:s0], s1  }
0x37: {  	s1 =	ssub.s32 @!p0 $0x0, s1;
	[sflag:s0] =	ssyncset.done @!p0 $0x0  }
0x38: {  	[sflag:s0] =	ssyncadd.s32 @!p0 s1  }
0x39: {  	[bflag:$0x3] =	sbarrier.arrive $0xFFFF  }
0x3a: {  	_ =	shalt  }

// kernel: gather_offload_async_start
scs
__scs_entry_jumppad:
0x0: {  	(pc) =	sbr.rel $0x88, $3  }
0x1: {  	(tag) =	ssettag $0x0;
	lr =	simm.s32 $0x1  }
0x2: {  	[smem:$0x3F9E] =	sst lr;
	_ =	strace $0xD0000000  }
0x3: {  	_ = 	snop  }
0x4: {  	_ = 	snop  }
0x5: {  	_ = 	snop  }
0x6: {  	_ = 	snop  }
0x7: {  	_ = 	snop  }
__scs_overlays_trampoline_lowered:
0x8: {  	[smem:$0x3FAD] =	sst s0  }
0x9: {  	[smem:$0x3FAE] =	sst s1  }
0xa: {  	[smem:$0x3FAF] =	sst s2  }
0xb: {  	[smem:$0x3FB0] =	sst s3  }
0xc: {  	[smem:$0x3FB1] =	sst s4  }
0xd: {  	[smem:$0x3FB2] =	sst s5  }
0xe: {  	[smem:$0x3FB3] =	sst s6  }
0xf: {  	[smem:$0x3FB4] =	sst s7  }
0x10: {  	[smem:$0x3FB5] =	sst s8  }
0x11: {  	[smem:$0x3FB6] =	sst s9;
	s0 =	simm.s32 @!p0 $0x0  }
0x12: {  	s1 =	sld [smem:$0x3F9C];
	s0 =	simm.s32 @p0 $0x1  }
0x13: {  	[smem:$0x3FB7] =	sst s0;
	s0 =	simm.s32 @!p1 $0x0  }
0x14: {  	s2 =	sld [smem:$0x3F9B];
	s0 =	simm.s32 @p1 $0x1  }
0x15: {  	[smem:$0x3FB8] =	sst s0;
	s0 =	simm.s32 @!p2 $0x0  }
0x16: {  	s3 =	sld [smem:$0x3FDB];
	s0 =	simm.s32 @p2 $0x1  }
0x17: {  	s4 =	simm.s32 $0x1BF5;
	[smem:$0x3FBA] =	sst s0  }
0x18: {  	s0 =	sld [smem:$0x3F9D];
	_ =	swait.ge [sflag:s4], $0x0  }
0x19: {  	s7 =	sld [smem:$0x3F9E]  }
0x1a: {  	s8 =	sadd.s32 $0xFFFFE003, lr  }
0x1b: {  	s9 =	sadd.s32 $0xFFFFFEF7, lr;
	s5 =	simm.s32 $0xFFFFFFFF;
	p2 =	slt.u32 s8, $0xFFFFF086  }
0x1c: {  	p1 =	slt.u32 s9, $0xF7A;
	s5 =	simm.s32 @!p2 $0x0  }
0x1d: {  	s5 =	simm.s32 @p1 $0x1;
	p0 =	seq.s32 s7, s2  }
0x1e: {  	s7 =	smul.u32 @!p0 $0xF7A, s2;
	p2 =	seq.s32 @!p0 s5, $0x0  }
0x1f: {  	s9 =	smul.u32 $0xF7A, s1;
	s8 =	simm.s32 @!p0 $0x1BF5;
	p2 =	por !p2, p0  }
0x20: {  	[sflag:s8] =	ssyncset.s32 @!p0 $0xFFFFF086;
	s6 =	sadd.s32 @!p0 s3, s7;
	s7 =	simm.s32 @!p0 $0x108  }
0x21: {  	s3 =	sadd.s32 s3, s9;
	s6 =	sadd.s32 @!p0 $0x88, s6;
	s7 =	simm.s32 @p2 $0x1082  }
0x22: {  	[simem:s7], [sflag:s8] =	dma.local @!p0 [hbm:s6], $0xF7A  }
0x23: {  	s9 =	sor.u32 $0xD0000000, s2;
	s6 =	simm.s32 $0x108;
	_ =	swait.ge @!p0 [sflag:s8], $0x0  }
0x24: {  	s3 =	sadd.s32 $0x88, s3;
	s6 =	simm.s32 @!p1 $0x1082;
	[sflag:s4] =	ssyncset.s32 $0xFFFFF086  }
0x25: {  	[simem:s6], [sflag:s4] =	dma.local [hbm:s3], $0xF7A  }
0x26: {  	[smem:$0x3F9E] =	sst s1;
	(tag) =	ssettag s2;
	_ =	strace s9  }
0x27: {  	s1 =	sld [smem:$0x3FAE]  }
0x28: {  	s2 =	sld [smem:$0x3FAF]  }
0x29: {  	s4 =	sld [smem:$0x3FB1]  }
0x2a: {  	p0 =	seq.s32 s5, $0x0;
	s5 =	sld [smem:$0x3FB2]  }
0x2b: {  	s6 =	sld [smem:$0x3FB3]  }
0x2c: {  	s7 =	sld [smem:$0x3FB4]  }
0x2d: {  	s3 =	simm.s32 $0x108;
	s8 =	sld [smem:$0x3FB5]  }
0x2e: {  	s3 =	simm.s32 @!p0 $0x1082;
	s9 =	sld [smem:$0x3FB6]  }
0x2f: {  	lr =	sadd.s32 s0, s3;
	s0 =	sld [smem:$0x3FAD]  }
0x30: {  	s3 =	sld [smem:$0x3FB0]  }
0x31: {  	[smem:$0x3FB9] =	sst s10  }
0x32: {  	s10 =	sld [smem:$0x3FB7];
	_ =	sdelay $0x3  }
0x33: {  	p0 =	seq.s32 s10, $0x1;
	s10 =	sld [smem:$0x3FB9];
	_ =	sdelay $0x3  }
0x34: {  	[smem:$0x3FB9] =	sst s10  }
0x35: {  	s10 =	sld [smem:$0x3FB8];
	_ =	sdelay $0x3  }
0x36: {  	p1 =	seq.s32 s10, $0x1;
	s10 =	sld [smem:$0x3FB9];
	_ =	sdelay $0x3  }
0x37: {  	[smem:$0x3FB9] =	sst s10  }
0x38: {  	s10 =	sld [smem:$0x3FBA]  }
0x39: {  	_ = 	snop;
	(pc) =	sbr.ind lr, $3  }
0x3a: {  	_ = 	snop  }
0x3b: {  	_ = 	snop  }
0x3c: {  	p2 =	seq.s32 s10, $0x1;
	s10 =	sld [smem:$0x3FB9]  }
0x3d: {  	_ =	shalt  }
0x3e: {  	_ =	shalt  }
0x3f: {  	_ =	shalt  }
0x40: {  	_ =	shalt  }
0x41: {  	_ =	shalt  }
0x42: {  	_ =	shalt  }
0x43: {  	_ =	shalt  }
0x44: {  	_ =	shalt  }
0x45: {  	_ =	shalt  }
0x46: {  	_ =	shalt  }
0x47: {  	_ =	shalt  }
0x48: {  	_ =	shalt  }
0x49: {  	_ =	shalt  }
0x4a: {  	_ =	shalt  }
0x4b: {  	_ =	shalt  }
0x4c: {  	_ =	shalt  }
0x4d: {  	_ =	shalt  }
0x4e: {  	_ =	shalt  }
0x4f: {  	_ =	shalt  }
0x50: {  	_ =	shalt  }
0x51: {  	_ =	shalt  }
0x52: {  	_ =	shalt  }
0x53: {  	_ =	shalt  }
0x54: {  	_ =	shalt  }
0x55: {  	_ =	shalt  }
0x56: {  	_ =	shalt  }
0x57: {  	_ =	shalt  }
0x58: {  	_ =	shalt  }
0x59: {  	_ =	shalt  }
0x5a: {  	_ =	shalt  }
0x5b: {  	_ =	shalt  }
0x5c: {  	_ =	shalt  }
0x5d: {  	_ =	shalt  }
0x5e: {  	_ =	shalt  }
0x5f: {  	_ =	shalt  }
0x60: {  	_ =	shalt  }
0x61: {  	_ =	shalt  }
0x62: {  	_ =	shalt  }
0x63: {  	_ =	shalt  }
0x64: {  	_ =	shalt  }
0x65: {  	_ =	shalt  }
0x66: {  	_ =	shalt  }
0x67: {  	_ =	shalt  }
0x68: {  	_ =	shalt  }
0x69: {  	_ =	shalt  }
0x6a: {  	_ =	shalt  }
0x6b: {  	_ =	shalt  }
0x6c: {  	_ =	shalt  }
0x6d: {  	_ =	shalt  }
0x6e: {  	_ =	shalt  }
0x6f: {  	_ =	shalt  }
0x70: {  	_ =	shalt  }
0x71: {  	_ =	shalt  }
0x72: {  	_ =	shalt  }
0x73: {  	_ =	shalt  }
0x74: {  	_ =	shalt  }
0x75: {  	_ =	shalt  }
0x76: {  	_ =	shalt  }
0x77: {  	_ =	shalt  }
0x78: {  	_ =	shalt  }
0x79: {  	_ =	shalt  }
0x7a: {  	_ =	shalt  }
0x7b: {  	_ =	shalt  }
0x7c: {  	_ =	shalt  }
0x7d: {  	_ =	shalt  }
0x7e: {  	_ =	shalt  }
0x7f: {  	_ =	shalt  }
0x80: {  	_ =	shalt  }
0x81: {  	_ =	shalt  }
0x82: {  	_ =	shalt  }
0x83: {  	_ =	shalt  }
0x84: {  	_ =	shalt  }
0x85: {  	_ =	shalt  }
0x86: {  	_ =	shalt  }
0x87: {  	_ =	shalt  }
.Lfunc_end0:
.L_simem_size_0:
called_computation_lowered:
.L_overlay_start_0:
0x88: {  	s0 =	sld [smem:$0x3FD9]  }
0x89: {  	s1 =	sld [smem:$0x3FFE];
	_ =	sdelay $0x3  }
0x8a: {  	s0 =	sadd.s32 s1, s0  }
0x8b: {  	[smem:$0x3FC5] =	sst s0  }
0x8c: {  	_ = 	snop  }
0x8d: {  	(tm) =	ssettm $0x1  }
0x8e: {  	s15 =	sld [smem:$0x3FFB];
	_ =	sdelay $0x3  }
0x8f: {  	_ =	strace s15  }
0x90: {  	s0 =	sld [smem:$0x3FFC];
	_ =	sdelay $0x3  }
0x91: {  	_ =	strace s0  }
0x92: {  	s0 =	sld [smem:$0x3FFD];
	_ =	sdelay $0x3  }
0x93: {  	_ =	strace s0  }
0x94: {  	_ =	strace $0x8FFFFFFF  }
0x95: {  	s16 =	sld [smem:$0x3FDB];
	_ =	sdelay $0x1  }
0x96: {  	s17 =	simm.s32 $_scs_section_size  }
0x97: {  	s2 =	simm.s32 $_size__tile_overlayer_lowered;
	s3 =	simm.s32 $_tile_overlayer_lowered  }
0x98: {  	s20 =	simm.s32 $0x1BFF;
	s19 =	sshll.u32 s3, $0x1;
	s0 =	sadd.s32 s17, s16  }
0x99: {  	s4 =	simm.s32 $0x0;
	s18 =	sshll.u32 s2, $0x1;
	s2 =	sadd.s32 s19, s0  }
0x9a: {  	[timem:s4], [sflag:s20] =	dma.local [hbm:s2], s18  }
0x9b: {  	_ =	swait.ge [sflag:s20], s18  }
0x9c: {  	s1 =	ssub.s32 $0x0, s18;
	[sflag:s20] =	ssyncset.done $0x0  }
0x9d: {  	[sflag:s20] =	ssyncadd.s32 s1;
	_ =	sdelay $0x1  }
0x9e: {  	s21 =	simm.s32 $0x1B8B  }
0x9f: {  	_ =	swait.ge [sflag:s21], $0x1  }
0xa0: {  	[sflag:s21] =	ssyncset.done $0x0  }
0xa1: {  	s23 =	simm.s32 $0x1B8E;
	s22 =	sld [smem:$0x3FFE];
	[sflag:s21] =	ssyncadd.s32 $0xFFFFFFFF  }
0xa2: {  	s24 =	simm.s32 $execute0_lowered;
	[smem:$0x3FD2] =	sst s23  }
0xa3: {  	s2 =	sshll.u32 s24, $0x1;
	_ =	strace $0x80000046;
	[dreg:$0x1] =	wrdreg $0xFFFFFFFF  }
0xa4: {  	s25 =	simm.s32 $_size_execute0_lowered;
	s0 =	sadd.s32 s0, s2;
	[dreg:$0x0] =	wrdreg $0x0  }
0xa5: {  	s2 =	sshll.u32 s25, $0x1;
	[dreg:$0x2] =	wrdreg s0  }
0xa6: {  	[dreg:$0x3] =	wrdreg s2  }
0xa7: {  	[dreg:$0x4] =	wrdreg $0xC0  }
0xa8: {  	_ =	task [dreg:s4], $0x5FFFF  }
0xa9: {  	[dreg:$0x1] =	wrdreg $0xFFFFFFFF  }
0xaa: {  	[dreg:$0x0] =	wrdreg $0x60  }
0xab: {  	[dreg:$0x2] =	wrdreg s22  }
0xac: {  	[dreg:$0x3] =	wrdreg $0x9  }
0xad: {  	_ =	task.clear_ibuf [dreg:s4], $0x4FFFF;
	_ =	strace $0x90000046  }
0xae: {  	s26 =	simm.s32 $0x9;
	_ =	strace $0x80000048  }
0xaf: {  	_ =	swait.ge [sflag:s26], $0x1  }
0xb0: {  	[sflag:s26] =	ssyncadd.s32 $0xFFFFFFFF  }
0xb1: {  	_ =	strace $0x90000048  }
0xb2: {  	_ =	sfence  }
0xb3: {  	s28 =	sld [smem:$0x0];
	_ =	sdelay $0x1  }
0xb4: {  	s29 =	srdreg.scid  }
0xb5: {  	s30 =	sshll.u32 s29, $0xD;
	s31 =	sshrl.u32 s29, $0x2  }
0xb6: {  	s1 =	sand.u32 $0x1, s29;
	s2 =	sand.u32 $0x4000, s30;
	s0 =	sadd.s32 s31, s28  }
0xb7: {  	s1 =	sor.u32 s2, s1;
	s0 =	sshll.u32 s0, $0x11  }
0xb8: {  	s0 =	sor.u32 s0, s1  }
0xb9: {  	s0 =	sadd.s32 $0x8F2B, s0  }
0xba: {  	[sflag:s0] =	ssyncadd.remote.s32 $0x1  }
0xbb: {  	_ =	sfence.sel $0xFFFF  }
0xbc: {  	[dreg:$0x0] =	wrdreg $0xFFFFFFFF;
	(pc) =	sbr.abs _section_cstart, $3  }
0xbd: {  	[dreg:$0x1] =	wrdreg $0xFFFFFFFF  }
0xbe: {  	_ =	task.clear_ibuf [dreg:s4], $0x2FFFF;
	_ =	strace $0x9FFFFFFF  }
0xbf: {  	(tm) =	ssettm $0x7FFFFFFF  }
tec
execute0_lowered:
.L_overlay_start_1:
0x0: {  	(tag) =	ssettag $0x1  }
0x1: {  	s0 =	stileid.u32  }
0x2: {  	s1 =	smin.u32 s0, $0x9  }
0x3: {  	s1 =	sadd.s32 s0, s1  }
0x4: {  	s2 =	simm.s32 $0x190;
	p0 =	slt.u32 s0, $0x9;
	s1 =	smul.u32 $0xC8, s1  }
0x5: {  	s2 =	simm.s32 @!p0 $0xC8  }
0x6: {  	s2 =	sadd.s32 s2, s1  }
0x7: {  	s3 =	smin.u32 s2, $0x1388  }
0x8: {  	s7 =	ssub.s32 s3, s1  }
0x9: {  	p0 =	sgt.s32 s7, $0x0  }
0xa: {  	s7 =	simm.s32 @!p0 $0x0  }
0xb: {  	s31 =	sand.u32 $0xFFF8, s7  }
0xc: {  	s2 =	sshrl.u32 s31, $0x3  }
0xd: {  	s2 =	smul.u32 $0x147B, s2  }
0xe: {  	s4 =	rddreg [dreg:$0x0];
	s6 =	simm.s32 $0x1  }
0xf: {  	s10 =	simm.s32 $0x3;
	s13 =	simm.s32 $0x0;
	s8 =	sshrl.u32 s2, $0x11  }
0x10: {  	s12 =	simm.s32 $0x0;
	s5 =	sadd.s32 $0x400, s4;
	s9 =	smul.u32 $0xC8, s8  }
.Ltmp0:
0x11: {  	s11 =	smov.u32 s1;
	s2 =	rddreg [dreg:$0x1];
	(pc) =	sbr.rel .LBB2_1-.Ltmp0, $4  }
0x12: {  	_ =	strace $0x80000047;
	p0 =	sne.s32 s7, s9;
	s9 =	simm.s32 $0x1  }
0x13: {  	[sflag:s6] =	ssyncpa.u1 $0x0;
	s7 =	simm.s32 $0x2;
	s9 =	simm.s32 @!p0 $0x0  }
0x14: {  	[sflag:s7] =	ssyncpa.u1 $0x0;
	p0 =	por $0x0, $0x0;
	s8 =	sadd.s32 s8, s9  }
0x15: {  	vm0 =	vmmov $0xff;
	vm1 =	vcmask $0x3F20;
	s9 =	sadd.s32 $0x13E00, s4;
	[sflag:s10] =	ssyncpa.u1 $0x0;
	s10 =	sadd.s32 $0x1, s8  }
.LBB2_6:
0x16: {  	[hbm:s17] =	stream.linear.scatter [tilespmem:s14], [sflag:$0x3], $0x400, $0x38;
	[tilespmem:$0xC990] =	vst v63  }
.LBB2_7:
0x17: {  	s13 =	sadd.s32 $0xC8, s11  }
0x18: {  	s15 =	smov.u32 s1;
	p2 =	slt.s32 s13, s3  }
0x19: {  	s15 =	smov.u32 @p2 s13;
	p2 =	sne.s32 s12, s10  }
.Ltmp1:
0x1a: {  	p1 =	slt.u32 s12, $0x2;
	(pc) =	sbr.rel @!p2 .LBB2_8-.Ltmp1, $4  }
0x1b: {  	s14 =	simm.s32 @!p1 $0x3  }
0x1c: {  	s16 =	sadd.s32 $0x1, s12;
	_ =	swait.ge @!p1 [sflag:s14], $0x6400  }
0x1d: {  	p0 =	por !p0, !p0;
	s13 =	smov.u32 s11;
	[sflag:s14] =	ssyncset.done @!p1 $0x0  }
0x1e: {  	s12 =	smov.u32 s16;
	s11 =	smov.u32 s15;
	[sflag:s14] =	ssyncadd.s32 @!p1 $0xFFFF9C00  }
.LBB2_1:
0x1f: {  	p1 =	sge.u32 s12, s8  }
0x20: {  	s14 =	sxor.u32 @!p1 $0xFFFFFFFF, s12  }
0x21: {  	s14 =	sand.u32 @!p1 $0x1, s14  }
0x22: {  	s14 =	smul.u32 @!p1 $0x320, s14  }
0x23: {  	s31 =	sadd.s32 $0xFFFFFFFF, s12;
	s15 =	sshrl.u32 @!p1 s11, $0x3  }
0x24: {  	s16 =	sand.u32 @!p1 $0x7, s11;
	s15 =	sadd.s32 @!p1 s4, s15;
	s14 =	sshrl.u32 @!p1 s14, $0x2  }
0x25: {  	[tilespmem:s14], [sflag:$0x2] =	stream.linear.gather @!p1 [hbm4b:s15+s16], $0xC8, $0x38;
	[tilespmem:$0xC990] =	vst v63  }
0x26: {  	p1 =	sge.u32 s31, s8  }
.Ltmp2:
0x27: {  	_ = 	snop;
	(pc) =	sbr.rel @p1 .LBB2_7-.Ltmp2, $1  }
0x28: {  	_ =	sdelay $0x3  }
0x29: {  	s14 =	simm.s32 $0x1  }
0x2a: {  	s14 =	simm.s32 @!p0 $0x0  }
0x2b: {  	s15 =	smul.u32 $0x320, s14  }
0x2c: {  	_ =	swait.ge [sflag:s7], $0xC8  }
0x2d: {  	[sflag:s7] =	ssyncset.done $0x0;
	s16 =	sshrl.u32 s15, $0x2  }
0x2e: {  	[sflag:s7] =	ssyncadd.s32 $0xFFFFFF38;
	s15 =	sadd.s32 $0x0, s16  }
0x2f: {  	v0 =	vld.msk [tilespmem:s15+$0x0 ss:$0x1], $0xffff;
	_ =	sdelay $0x4  }
0x30: {  	vm2 =	vgt.s32 v0, $0x0  }
0x31: {  	v0 =	vnsel vm2, $0x0, v0  }
0x32: {  	v0 =	vmin.u32 v0, $0x1387  }
0x33: {  	v0 =	vshll.u32 v0, $0x4  }
0x34: {  	s14 =	smul.u32 $0x19000, s14  }
0x35: {  	s31 =	sand.u32 $0x1, s12  }
0x36: {  	s17 =	smul.u32 $0x320, s31;
	s14 =	sshrl.u32 s14, $0x2  }
0x37: {  	s19 =	smul.u32 $0x19000, s31;
	s14 =	sor.u32 $0x190, s14  }
0x38: {  	[tilespmem:s14], [sflag:$0x1] =	stream.indirect_vreg.gather [hbm:s5], $0x80, v0, vm0, $0x38;
	[tilespmem:$0xC990] =	vst v63  }
0x39: {  	s18 =	sshrl.u32 s17, $0x2;
	s20 =	sadd.s32 $0x10, s16;
	s15 =	sadd.s32 $0x400, s14  }
0x3a: {  	[tilespmem:s15], [sflag:$0x1] =	stream.indirect_vreg.gather [hbm:s5], $0x80, v0, vm1, $0x38;
	[tilespmem:$0xC990] =	vst v63  }
0x3b: {  	s17 =	sshrl.u32 s19, $0x2;
	s19 =	smov.u32 s14;
	v0 =	vld.msk [tilespmem:s20+$0x0 ss:$0x1], $0xffff;
	s20 =	simm.s32 $0x80  }
.LBB2_3:
0x3c: {  	p1 =	sne.s32 s20, $0x2C0;
	_ =	sdelay $0x4  }
0x3d: {  	vm2 =	vgt.s32 v0, $0x0  }
0x3e: {  	v0 =	vnsel vm2, $0x0, v0  }
0x3f: {  	v0 =	vmin.u32 v0, $0x1387  }
0x40: {  	v0 =	vshll.u32 v0, $0x4;
	_ =	sdelay $0x3  }
.Ltmp3:
0x41: {  	s21 =	sshra.s32 s20, $0x2;
	s19 =	sadd.s32 $0x800, s19;
	(pc) =	sbr.rel @p1 .LBB2_3-.Ltmp3, $4  }
0x42: {  	[tilespmem:s19], [sflag:$0x1] =	stream.indirect_vreg.gather [hbm:s5], $0x80, v0, vm0, $0x38;
	[tilespmem:$0xC990] =	vst v63  }
0x43: {  	s21 =	sadd.s32 s21, s16;
	s22 =	sadd.s32 $0x400, s19  }
0x44: {  	[tilespmem:s22], [sflag:$0x1] =	stream.indirect_vreg.gather [hbm:s5], $0x80, v0, vm1, $0x38;
	[tilespmem:$0xC990] =	vst v63  }
0x45: {  	s20 =	sadd.s32 $0x40, s20;
	v0 =	vld.msk [tilespmem:s21+$0x0 ss:$0x1], $0xffff  }
0x46: {  	_ =	sdelay $0x3  }
0x47: {  	vm2 =	vgt.s32 v0, $0x0  }
0x48: {  	v0 =	vnsel vm2, $0x0, v0  }
0x49: {  	v0 =	vmin.u32 v0, $0x1387  }
0x4a: {  	v0 =	vshll.u32 v0, $0x4;
	_ =	sdelay $0x3  }
0x4b: {  	s16 =	sadd.s32 $0x800, s19  }
0x4c: {  	[tilespmem:s16], [sflag:$0x1] =	stream.indirect_vreg.gather [hbm:s5], $0x80, v0, vm0, $0x38;
	[tilespmem:$0xC990] =	vst v63  }
0x4d: {  	s16 =	sadd.s32 $0x400, s16  }
0x4e: {  	[tilespmem:s16], [sflag:$0x1] =	stream.indirect_vreg.gather [hbm:s5], $0x80, v0, vm1, $0x38;
	[tilespmem:$0xC990] =	vst v63  }
0x4f: {  	v0 =	vld.msk [tilespmem:s18+$0xC0 ss:$0x1], $0xff;
	_ =	sdelay $0x4  }
0x50: {  	vm2 =	vgt.s32 v0, $0x0  }
0x51: {  	v0 =	vnsel vm2, $0x0, v0  }
0x52: {  	v0 =	vmin.u32 v0, $0x1387  }
0x53: {  	v0 =	vshll.u32 v0, $0x4;
	_ =	sdelay $0x3  }
0x54: {  	s31 =	sadd.s32 $0x6190, s17  }
0x55: {  	[tilespmem:s31], [sflag:$0x1] =	stream.indirect_vreg.gather [hbm:s5], $0x80, v0, vm0, $0x38;
	[tilespmem:$0xC990] =	vst v63  }
0x56: {  	s13 =	sshll.u32 s13, $0x4;
	_ =	swait.ge [sflag:s6], $0x6400  }
0x57: {  	s13 =	sadd.s32 s13, s9;
	[sflag:s6] =	ssyncset.done $0x0  }
0x58: {  	s17 =	sadd.s32 $0x0, s13;
	s16 =	simm.s32 $0x80;
	[sflag:s6] =	ssyncadd.s32 $0xFFFF9C00  }
.LBB2_5:
0x59: {  	[hbm:s17] =	stream.linear.scatter [tilespmem:s14], [sflag:$0x3], $0x400, $0x38;
	[tilespmem:$0xC990] =	vst v63  }
0x5a: {  	s17 =	smov.u32 s16;
	s14 =	smov.u32 s15;
	p1 =	sne.s32 s16, $0xC00  }
.Ltmp4:
0x5b: {  	s16 =	sadd.s32 $0x80, s16;
	(pc) =	sbr.rel @p1 .LBB2_5-.Ltmp4, $2  }
0x5c: {  	_ =	sdelay $0x2  }
0x5d: {  	s15 =	sadd.s32 $0x400, s15;
	s17 =	sadd.s32 s17, s13  }
.Ltmp5:
0x5e: {  	_ = 	snop;
	(pc) =	sbr.rel .LBB2_6-.Ltmp5, $1  }
0x5f: {  	_ =	sdelay $0x3  }
.LBB2_8:
0x60: {  	_ =	sfence.sel $0x180000  }
0x61: {  	s1 =	simm.s32 $0x2;
	[bflag:$0x0] =	sbarrier.arrive $0xFFFF  }
0x62: {  	s30 =	simm.s32 $0x3;
	[sflag:s1] =	ssyncpa.u1 $0x1  }
0x63: {  	s31 =	simm.s32 $0x1;
	[sflag:s30] =	ssyncpa.u1 $0x1  }
0x64: {  	[sflag:s31] =	ssyncpa.u1 $0x1  }
0x65: {  	p0 =	sne.s32 s0, $0x0;
	_ =	strace $0x90000047  }
0x66: {  	s0 =	sadd.s32 @!p0 $0x100000, s2;
	[bflag:$0x2] =	sbarrier.arrive $0xFFFF  }
0x67: {  	[sflag:s0] =	ssyncadd.tile.s32 @!p0 $0x1;
	_ =	shalt  }
.Lfunc_end2:
_tile_overlayer_lowered:
.L_overlay_start_2:
0x68: {  	(tag) =	ssettag $0x2  }
0x69: {  	s0 =	rddreg [dreg:$0x0];
	s2 =	stileid.u32  }
0x6a: {  	s1 =	rddreg [dreg:$0x1];
	p0 =	sne.s32 s2, $0x0  }
0x6b: {  	s3 =	rddreg [dreg:$0x2];
	[bflag:$0x3] =	sbarrier.arrive $0xFFFF;
	s2 =	simm.s32 @!p0 $0x1C01  }
0x6c: {  	[timem:s3], [sflag:s2] =	dma.local @!p0 [hbm:s0], s1  }
0x6d: {  	s0 =	simm.s32 @!p0 $0x1  }
0x6e: {  	_ =	swait.ge @!p0 [sflag:s0], s1  }
0x6f: {  	s1 =	ssub.s32 @!p0 $0x0, s1;
	[sflag:s0] =	ssyncset.done @!p0 $0x0  }
0x70: {  	[sflag:s0] =	ssyncadd.s32 @!p0 s1  }
0x71: {  	[bflag:$0x3] =	sbarrier.arrive $0xFFFF  }
0x72: {  	_ =	shalt  }

</sc_bundles>
